<compile_context>
chip_gen: v7x
topology: tpu7x:2x2x1
jax: 0.10.2.dev20260603
libtpu: 0.0.44.dev20260713+nightly
codegen_flags: <defaults>
</compile_context>

<pallas_src>
import jax
import jax.numpy as jnp
from jax.experimental import pallas as pl
from jax.experimental.pallas import tpu as pltpu

_B, _N, _H, _D = 4, 4096, 16, 64
_E = _H * _D
_BQ = 1024
_DV = 2 * _D
_CK = 1024
_NCK = _N // _CK


def _mha_kernel(q_ref, k_ref, v_ref, w_ref, bias_ref, o_ref, acc_ref):
    h = pl.program_id(1)
    i = pl.program_id(2)

    q = q_ref[0, 0]
    k = k_ref[0, 0]
    s = jax.lax.dot_general(q, k, (((1,), (1,)), ((), ())),
                            preferred_element_type=jnp.float32)
    p = jnp.exp2(s).astype(jnp.bfloat16)
    v = v_ref[0, 0]
    o_aug = jax.lax.dot_general(p, v, (((1,), (0,)), ((), ())),
                                preferred_element_type=jnp.float32)

    l = o_aug[:, _D:_D + 1]
    w = w_ref[...]
    t = jax.lax.dot_general(o_aug[:, :_D], w, (((1,), (0,)), ((), ())),
                            preferred_element_type=jnp.float32)
    contrib = t / l

    rows = pl.ds(i * _BQ, _BQ)

    @pl.when(h == 0)
    def _init():
        acc_ref[rows, :] = contrib

    @pl.when(h > 0)
    def _accum():
        acc_ref[rows, :] += contrib

    @pl.when(h == _H - 1)
    def _emit():
        o_ref[0] = acc_ref[rows, :] + bias_ref[...]


def kernel(query, key, value, W_out, b_out):
    scale = jnp.float32(1.4426950408889634) / jnp.sqrt(jnp.float32(_D))
    q = (query * scale).astype(jnp.bfloat16).reshape(_B, _N, _H, _D)
    q = q.transpose(0, 2, 1, 3)
    k = key.astype(jnp.bfloat16).reshape(_B, _N, _H, _D).transpose(0, 2, 1, 3)
    v = value.astype(jnp.bfloat16).reshape(_B, _N, _H, _D).transpose(0, 2, 1, 3)
    ones = jnp.ones((_B, _H, _N, 1), dtype=jnp.bfloat16)
    zeros = jnp.zeros((_B, _H, _N, _DV - _D - 1), dtype=jnp.bfloat16)
    v_aug = jnp.concatenate([v, ones, zeros], axis=-1)
    bias = b_out.reshape(1, _D)

    return pl.pallas_call(
        _mha_kernel,
        grid=(_B, _H, _N // _BQ),
        in_specs=[
            pl.BlockSpec((1, 1, _BQ, _D), lambda b, h, i: (b, h, i, 0)),
            pl.BlockSpec((1, 1, _N, _D), lambda b, h, i: (b, h, 0, 0)),
            pl.BlockSpec((1, 1, _N, _DV), lambda b, h, i: (b, h, 0, 0)),
            pl.BlockSpec((_D, _D), lambda b, h, i: (h, 0)),
            pl.BlockSpec((1, _D), lambda b, h, i: (0, 0)),
        ],
        out_specs=pl.BlockSpec((1, _BQ, _D), lambda b, h, i: (b, i, 0)),
        out_shape=jax.ShapeDtypeStruct((_B, _N, _D), jnp.float32),
        scratch_shapes=[pltpu.VMEM((_N, _D), jnp.float32)],
        compiler_params=pltpu.CompilerParams(
            dimension_semantics=("parallel", "arbitrary", "arbitrary"),
        ),
    )(q, k, v_aug, W_out, bias)

# --- scband reference (transcript-rebuilt; emitter-appended) ---
"""Pipeline reference for scband-transformer-8134668058956 (READ-ONLY COPY).

The authoritative reference and input builder live on the scoring server;
editing this copy changes nothing except your own understanding.
"""

import jax, jax.numpy as jnp
import numpy as np

B, N, H, D = 4, 4096, 16, 64
E = H * D

def setup_inputs(seed: int = 0) -> dict:
    key = jax.random.key(seed)
    k1, k2, k3, k4 = jax.random.split(key, 4)
    query = jax.random.normal(k1, (B, N, E), dtype=jnp.float32)
    kk = jax.random.normal(k2, (B, N, E), dtype=jnp.float32)
    value = jax.random.normal(k3, (B, N, E), dtype=jnp.float32)
    # out_linear: Linear(num_heads * dim_per_head -> dim_per_head)
    W_out = jax.random.normal(k4, (E, D), dtype=jnp.float32) * 0.02
    b_out = jnp.zeros((D,), dtype=jnp.float32)
    return {"query": query, "key": kk, "value": value, "W_out": W_out, "b_out": b_out}

def reference(query, key, value, W_out, b_out):
    # MHAAttention.forward (eval mode, dropout disabled, no key_padding_mask)
    q = query.reshape(B, N, H, D).transpose(0, 2, 1, 3)  # b h n d
    k = key.reshape(B, N, H, D).transpose(0, 2, 1, 3)
    v = value.reshape(B, N, H, D).transpose(0, 2, 1, 3)
    scale = 1.0 / jnp.sqrt(jnp.float32(D))
    attn_scores = jnp.einsum('bhid,bhjd->bhij', q, k) * scale
    attn = jax.nn.softmax(attn_scores, axis=-1)
    out = jnp.einsum('bhij,bhjd->bhid', attn, v)
    out = out.transpose(0, 2, 1, 3).reshape(B, N, E)  # b n (h d)
    out = out @ W_out + b_out
    return out

if __name__ == "__main__":
    import jax
    _d = setup_inputs()
    print(jax.jit(kernel)(*tuple(_d.values())))

</pallas_src>

<mosaic_0001>
module attributes {stable_mosaic.version = 14 : i64} {
  func.func @_mha_kernel(%arg0: i32, %arg1: i32, %arg2: i32, %arg3: memref<1x1x1024x64xbf16, #tpu.memory_space<vmem>>, %arg4: memref<1x1x4096x64xbf16, #tpu.memory_space<vmem>>, %arg5: memref<1x1x4096x128xbf16, #tpu.memory_space<vmem>>, %arg6: memref<64x64xf32, #tpu.memory_space<vmem>>, %arg7: memref<1x64xf32, #tpu.memory_space<vmem>>, %arg8: memref<1x1024x64xf32, #tpu.memory_space<vmem>>, %arg9: memref<4096x64xf32, #tpu.memory_space<vmem>>) attributes {dimension_semantics = [#tpu.dimension_semantics<parallel>, #tpu.dimension_semantics<arbitrary>, #tpu.dimension_semantics<arbitrary>], iteration_bounds = array<i64: 4, 16, 4>, scalar_prefetch = 0 : i64, scratch_operands = 1 : i64, tpu.core_type = #tpu.core_type<tc>, window_params = [{transform_indices = @transform_0, window_bounds = array<i64: 1, 1, 1024, 64>}, {transform_indices = @transform_1, window_bounds = array<i64: 1, 1, 4096, 64>}, {transform_indices = @transform_2, window_bounds = array<i64: 1, 1, 4096, 128>}, {transform_indices = @transform_3, window_bounds = array<i64: 64, 64>}, {pipeline_mode = #tpu.pipeline_mode<synchronous>, transform_indices = @transform_4, window_bounds = array<i64: 1, 64>}, {transform_indices = @transform_5, window_bounds = array<i64: 1, 1024, 64>}]} {
    %get3A = arith.constant 0 : index
    %get3A_0 = arith.constant 0 : index
    %get3A_1 = arith.constant 0 : index
    %get3A_2 = arith.constant 0 : index
    %get3A_3 = vector.load %arg3[%get3A, %get3A_0, %get3A_1, %get3A_2] : memref<1x1x1024x64xbf16, #tpu.memory_space<vmem>>, vector<1x1x1024x64xbf16>
    %get3A_4 = vector.shape_cast %get3A_3 : vector<1x1x1024x64xbf16> to vector<1024x64xbf16>
    %get3A_5 = arith.constant 0 : index
    %get3A_6 = arith.constant 0 : index
    %get3A_7 = arith.constant 0 : index
    %get3A_8 = arith.constant 0 : index
    %get3A_9 = vector.load %arg4[%get3A_5, %get3A_6, %get3A_7, %get3A_8] : memref<1x1x4096x64xbf16, #tpu.memory_space<vmem>>, vector<1x1x4096x64xbf16>
    %get3A_10 = vector.shape_cast %get3A_9 : vector<1x1x4096x64xbf16> to vector<4096x64xbf16>
    %dot_general3A = arith.constant dense<0.000000e+00> : vector<1024x4096xf32>
    %dot_general3A_11 = tpu.matmul %get3A_4, %get3A_10, %dot_general3A {dimension_numbers = #tpu.dot_dimension_numbers<[1], [1], [0], [0], [0, 0, 1, 0], [], []>, transpose_lhs_hint = false} : vector<1024x64xbf16>, vector<4096x64xbf16>, vector<1024x4096xf32> -> vector<1024x4096xf32>
    %exp23A = math.exp2 %dot_general3A_11 : vector<1024x4096xf32>
    %convert_element_type3A = arith.truncf %exp23A : vector<1024x4096xf32> to vector<1024x4096xbf16>
    %get3A_12 = arith.constant 0 : index
    %get3A_13 = arith.constant 0 : index
    %get3A_14 = arith.constant 0 : index
    %get3A_15 = arith.constant 0 : index
    %get3A_16 = vector.load %arg5[%get3A_12, %get3A_13, %get3A_14, %get3A_15] : memref<1x1x4096x128xbf16, #tpu.memory_space<vmem>>, vector<1x1x4096x128xbf16>
    %get3A_17 = vector.shape_cast %get3A_16 : vector<1x1x4096x128xbf16> to vector<4096x128xbf16>
    %dot_general3A_18 = arith.constant dense<0.000000e+00> : vector<1024x128xf32>
    %dot_general3A_19 = tpu.matmul %convert_element_type3A, %get3A_17, %dot_general3A_18 {dimension_numbers = #tpu.dot_dimension_numbers<[1], [0], [0], [1], [0, 0, 1, 1], [], []>, transpose_lhs_hint = false} : vector<1024x4096xbf16>, vector<4096x128xbf16>, vector<1024x128xf32> -> vector<1024x128xf32>
    %slice3A = vector.extract_strided_slice %dot_general3A_19 {offsets = [0, 64], sizes = [1024, 1], strides = [1, 1]} : vector<1024x128xf32> to vector<1024x1xf32>
    %get3A_20 = arith.constant 0 : index
    %get3A_21 = arith.constant 0 : index
    %get3A_22 = vector.load %arg6[%get3A_20, %get3A_21] : memref<64x64xf32, #tpu.memory_space<vmem>>, vector<64x64xf32>
    %slice3A_23 = vector.extract_strided_slice %dot_general3A_19 {offsets = [0, 0], sizes = [1024, 64], strides = [1, 1]} : vector<1024x128xf32> to vector<1024x64xf32>
    %dot_general3A_24 = arith.constant dense<0.000000e+00> : vector<1024x64xf32>
    %dot_general3A_25 = tpu.matmul %slice3A_23, %get3A_22, %dot_general3A_24 {dimension_numbers = #tpu.dot_dimension_numbers<[1], [0], [0], [1], [0, 0, 1, 1], [], []>, transpose_lhs_hint = false} : vector<1024x64xf32>, vector<64x64xf32>, vector<1024x64xf32> -> vector<1024x64xf32>
    %div3A = vector.broadcast %slice3A : vector<1024x1xf32> to vector<1024x64xf32>
    %div3A_26 = arith.divf %dot_general3A_25, %div3A : vector<1024x64xf32>
    %mul3A = arith.constant 1024 : i32
    %mul3A_27 = arith.muli %arg2, %mul3A : i32
    %eq3A = arith.constant 0 : i32
    %eq3A_28 = arith.cmpi eq, %arg1, %eq3A : i32
    %convert_element_type3A_29 = arith.extui %eq3A_28 : i1 to i32
    %cond3A = arith.constant 0 : i32
    %cond3A_30 = arith.cmpi ne, %convert_element_type3A_29, %cond3A : i32
    scf.if %cond3A_30 {
      %swap3A = arith.index_cast %mul3A_27 : i32 to index
      %swap3A_40 = arith.constant 0 : index
      %swap3A_41 = vector.load %arg9[%swap3A, %swap3A_40] : memref<4096x64xf32, #tpu.memory_space<vmem>>, vector<1024x64xf32>
      tpu.vector_store %arg9[%swap3A, %swap3A_40], %div3A_26 {strides = array<i32>} : memref<4096x64xf32, #tpu.memory_space<vmem>>, vector<1024x64xf32>,
    } else {
    }
    %gt3A = arith.constant 0 : i32
    %gt3A_31 = arith.cmpi sgt, %arg1, %gt3A : i32
    %convert_element_type3A_32 = arith.extui %gt3A_31 : i1 to i32
    %cond3A_33 = arith.constant 0 : i32
    %cond3A_34 = arith.cmpi ne, %convert_element_type3A_32, %cond3A_33 : i32
    scf.if %cond3A_34 {
      %get3A_40 = arith.index_cast %mul3A_27 : i32 to index
      %get3A_41 = arith.constant 0 : index
      %get3A_42 = vector.load %arg9[%get3A_40, %get3A_41] : memref<4096x64xf32, #tpu.memory_space<vmem>>, vector<1024x64xf32>
      %add3A = arith.addf %get3A_42, %div3A_26 : vector<1024x64xf32>
      %swap3A = arith.index_cast %mul3A_27 : i32 to index
      %swap3A_43 = arith.constant 0 : index
      %swap3A_44 = vector.load %arg9[%swap3A, %swap3A_43] : memref<4096x64xf32, #tpu.memory_space<vmem>>, vector<1024x64xf32>
      tpu.vector_store %arg9[%swap3A, %swap3A_43], %add3A {strides = array<i32>} : memref<4096x64xf32, #tpu.memory_space<vmem>>, vector<1024x64xf32>,
    } else {
    }
    %eq3A_35 = arith.constant 15 : i32
    %eq3A_36 = arith.cmpi eq, %arg1, %eq3A_35 : i32
    %convert_element_type3A_37 = arith.extui %eq3A_36 : i1 to i32
    %cond3A_38 = arith.constant 0 : i32
    %cond3A_39 = arith.cmpi ne, %convert_element_type3A_37, %cond3A_38 : i32
    scf.if %cond3A_39 {
      %get3A_40 = arith.index_cast %mul3A_27 : i32 to index
      %get3A_41 = arith.constant 0 : index
      %get3A_42 = vector.load %arg9[%get3A_40, %get3A_41] : memref<4096x64xf32, #tpu.memory_space<vmem>>, vector<1024x64xf32>
      %get3A_43 = arith.constant 0 : index
      %get3A_44 = arith.constant 0 : index
      %get3A_45 = vector.load %arg7[%get3A_43, %get3A_44] : memref<1x64xf32, #tpu.memory_space<vmem>>, vector<1x64xf32>
      %add3A = vector.broadcast %get3A_45 : vector<1x64xf32> to vector<1024x64xf32>
      %add3A_46 = arith.addf %get3A_42, %add3A : vector<1024x64xf32>
      %swap3A = arith.constant 0 : index
      %swap3A_47 = arith.constant 0 : index
      %swap3A_48 = arith.constant 0 : index
      %swap3A_49 = vector.load %arg8[%swap3A, %swap3A_47, %swap3A_48] : memref<1x1024x64xf32, #tpu.memory_space<vmem>>, vector<1x1024x64xf32>
      %swap3A_50 = vector.shape_cast %swap3A_49 : vector<1x1024x64xf32> to vector<1024x64xf32>
      %swap3A_51 = vector.shape_cast %add3A_46 : vector<1024x64xf32> to vector<1x1024x64xf32>
      tpu.vector_store %arg8[%swap3A, %swap3A_47, %swap3A_48], %swap3A_51 {strides = array<i32>} : memref<1x1024x64xf32, #tpu.memory_space<vmem>>, vector<1x1024x64xf32>,
    } else {
    }
    return
  }
  func.func @transform_0(%arg0: i32, %arg1: i32, %arg2: i32) -> (i32, i32, i32, i32) {
    %c0_i32 = arith.constant 0 : i32
    %c0_i32_0 = arith.constant 0 : i32
    return %arg0, %arg1, %arg2, %c0_i32 : i32, i32, i32, i32
  }
  func.func @transform_1(%arg0: i32, %arg1: i32, %arg2: i32) -> (i32, i32, i32, i32) {
    %c0_i32 = arith.constant 0 : i32
    %c0_i32_0 = arith.constant 0 : i32
    %c0_i32_1 = arith.constant 0 : i32
    return %arg0, %arg1, %c0_i32, %c0_i32_0 : i32, i32, i32, i32
  }
  func.func @transform_2(%arg0: i32, %arg1: i32, %arg2: i32) -> (i32, i32, i32, i32) {
    %c0_i32 = arith.constant 0 : i32
    %c0_i32_0 = arith.constant 0 : i32
    %c0_i32_1 = arith.constant 0 : i32
    return %arg0, %arg1, %c0_i32, %c0_i32_0 : i32, i32, i32, i32
  }
  func.func @transform_3(%arg0: i32, %arg1: i32, %arg2: i32) -> (i32, i32) {
    %c0_i32 = arith.constant 0 : i32
    %c0_i32_0 = arith.constant 0 : i32
    return %arg1, %c0_i32 : i32, i32
  }
  func.func @transform_4(%arg0: i32, %arg1: i32, %arg2: i32) -> (i32, i32) {
    %c0_i32 = arith.constant 0 : i32
    %c0_i32_0 = arith.constant 0 : i32
    %c0_i32_1 = arith.constant 0 : i32
    return %c0_i32, %c0_i32_0 : i32, i32
  }
  func.func @transform_5(%arg0: i32, %arg1: i32, %arg2: i32) -> (i32, i32, i32) {
    %c0_i32 = arith.constant 0 : i32
    %c0_i32_0 = arith.constant 0 : i32
    return %arg0, %arg2, %c0_i32 : i32, i32, i32
  }
}

</mosaic_0001>

<sc_bundles>
// kernel: sparse-core-data-format-call.1.cloned.1.call-start
scs
called_computation.1_lowered:
.L_overlay_start_0:
0x0: {  	s2 =	sld [smem:$0x3FD9]  }
0x1: {  	s3 =	sld [smem:$0x3FFE];
	_ =	sdelay $0x1  }
0x2: {  	s1 =	srdreg.scid  }
0x3: {  	s0 =	sand.u32 $0x1, s1  }
0x4: {  	s18 =	sshll.u32 s0, $0xA;
	s2 =	sadd.s32 s3, s2  }
0x5: {  	s2 =	sadd.s32 s2, s18  }
0x6: {  	[smem:$0x3FC3] =	sst s2  }
0x7: {  	_ = 	snop  }
0x8: {  	(tm) =	ssettm $0x1  }
0x9: {  	s19 =	sld [smem:$0x3FFB];
	_ =	sdelay $0x3  }
0xa: {  	_ =	strace s19  }
0xb: {  	s2 =	sld [smem:$0x3FFC];
	_ =	sdelay $0x3  }
0xc: {  	_ =	strace s2  }
0xd: {  	s2 =	sld [smem:$0x3FFD];
	_ =	sdelay $0x3  }
0xe: {  	_ =	strace s2  }
0xf: {  	_ =	strace $0x8FFFFFFF  }
0x10: {  	s20 =	sld [smem:$0x3FDB];
	_ =	sdelay $0x1  }
0x11: {  	s21 =	simm.s32 $_scs_section_size  }
0x12: {  	s4 =	simm.s32 $_size__tile_overlayer_lowered;
	s5 =	simm.s32 $_tile_overlayer_lowered  }
0x13: {  	s6 =	simm.s32 $0x1BFF;
	s22 =	sshll.u32 s5, $0x1;
	s3 =	sadd.s32 s21, s20  }
0x14: {  	s23 =	simm.s32 $0x0;
	s4 =	sshll.u32 s4, $0x1;
	s5 =	sadd.s32 s22, s3  }
0x15: {  	[timem:s23], [sflag:s6] =	dma.local [hbm:s5], s4  }
0x16: {  	_ =	swait.ge [sflag:s6], s4  }
0x17: {  	s4 =	ssub.s32 $0x0, s4;
	[sflag:s6] =	ssyncset.done $0x0  }
0x18: {  	[sflag:s6] =	ssyncadd.s32 s4;
	_ =	sdelay $0x1  }
0x19: {  	s24 =	simm.s32 $0x1B8B  }
0x1a: {  	_ =	swait.ge [sflag:s24], $0x1  }
0x1b: {  	[sflag:s24] =	ssyncset.done $0x0  }
0x1c: {  	[sflag:s24] =	ssyncadd.s32 $0xFFFFFFFF  }
0x1d: {  	s4 =	sld [smem:$0x0]  }
0x1e: {  	s5 =	sand.u32 $0xFFFFFFFE, s1  }
0x1f: {  	p0 =	sne.s32 s1, s5  }
0x20: {  	s5 =	sshll.u32 @p0 s5, $0xE  }
0x21: {  	s5 =	sadd.s32 @p0 $0x11B8D, s5;
	s6 =	sshll.u32 @p0 s4, $0x11  }
0x22: {  	s5 =	sor.u32 @p0 s6, s5  }
0x23: {  	[sflag:s5] =	ssyncadd.remote.s32 @p0 $0x1;
	_ =	sdelay $0x1  }
0x24: {  	s5 =	simm.s32 @p0 $0x1B8D  }
0x25: {  	_ =	swait.eq @p0 [sflag:s5], $0x1  }
0x26: {  	[sflag:s5] =	ssyncadd.s32 @p0 $0xFFFFFFFF  }
0x27: {  	s6 =	sshll.u32 @!p0 s1, $0xE  }
0x28: {  	s6 =	sor.u32 @!p0 $0x4000, s6;
	s5 =	simm.s32 @!p0 $0x1B8D  }
0x29: {  	s4 =	sshll.u32 @!p0 s4, $0x11;
	s6 =	sadd.s32 @!p0 $0x11B8D, s6;
	_ =	swait.eq @!p0 [sflag:s5], $0x1  }
0x2a: {  	s4 =	sor.u32 @!p0 s4, s6;
	[sflag:s5] =	ssyncadd.s32 @!p0 $0xFFFFFFFF  }
0x2b: {  	s26 =	simm.s32 $0x1B8E;
	s25 =	sld [smem:$0x3FFE];
	[sflag:s4] =	ssyncadd.remote.s32 @!p0 $0x1  }
0x2c: {  	s27 =	simm.s32 $execute0_lowered;
	[smem:$0x3FD2] =	sst s26  }
0x2d: {  	s5 =	sshll.u32 s27, $0x1;
	_ =	strace $0x8000004C;
	[dreg:$0x1] =	wrdreg $0xFFFFFFFF  }
0x2e: {  	s28 =	simm.s32 $_size_execute0_lowered;
	s3 =	sadd.s32 s3, s5;
	[dreg:$0x0] =	wrdreg $0x0  }
0x2f: {  	s5 =	sshll.u32 s28, $0x1;
	[dreg:$0x2] =	wrdreg s3  }
0x30: {  	[dreg:$0x3] =	wrdreg s5  }
0x31: {  	[dreg:$0x4] =	wrdreg $0xC0  }
0x32: {  	_ =	task [dreg:s23], $0x5FFFF  }
0x33: {  	[dreg:$0x1] =	wrdreg $0xFFFFFFFF  }
0x34: {  	[dreg:$0x0] =	wrdreg $0x60  }
0x35: {  	[dreg:$0x2] =	wrdreg s25  }
0x36: {  	[dreg:$0x3] =	wrdreg $0xA  }
0x37: {  	_ =	task.clear_ibuf [dreg:s23], $0x4FFFF;
	_ =	strace $0x9000004C  }
0x38: {  	s29 =	simm.s32 $0xA;
	_ =	strace $0x8000004E  }
0x39: {  	_ =	swait.ge [sflag:s29], $0x1  }
0x3a: {  	[sflag:s29] =	ssyncadd.s32 $0xFFFFFFFF  }
0x3b: {  	_ =	strace $0x9000004E  }
0x3c: {  	_ =	sfence  }
0x3d: {  	s30 =	sld [smem:$0x0];
	_ =	sdelay $0x2  }
0x3e: {  	s31 =	sshll.u32 s1, $0xD;
	s1 =	sshrl.u32 s1, $0x2  }
0x3f: {  	s4 =	sand.u32 $0x4000, s31;
	s1 =	sadd.s32 s1, s30  }
0x40: {  	s0 =	sor.u32 s4, s0;
	s1 =	sshll.u32 s1, $0x11  }
0x41: {  	s0 =	sor.u32 s1, s0  }
0x42: {  	s0 =	sadd.s32 $0x8F2B, s0  }
0x43: {  	[sflag:s0] =	ssyncadd.remote.s32 $0x1  }
0x44: {  	_ =	sfence.sel $0xFFFF  }
0x45: {  	[dreg:$0x0] =	wrdreg $0xFFFFFFFF;
	(pc) =	sbr.abs _section_cstart, $3  }
0x46: {  	[dreg:$0x1] =	wrdreg $0xFFFFFFFF  }
0x47: {  	_ =	task.clear_ibuf [dreg:s23], $0x2FFFF;
	_ =	strace $0x9FFFFFFF  }
0x48: {  	(tm) =	ssettm $0x7FFFFFFF  }
0x49: {  	_ =	shalt  }
tec
execute0_lowered:
.L_overlay_start_1:
0x0: {  	(tag) =	ssettag $0x1  }
0x1: {  	s1 =	rddreg [dreg:$0x0];
	s3 =	srdreg.scid  }
0x2: {  	_ =	strace $0x8000004D;
	s5 =	simm.s32 $0x1;
	s7 =	simm.s32 $0x2  }
0x3: {  	s16 =	simm.s32 $0x0;
	s13 =	simm.s32 $0x0;
	s14 =	simm.s32 $0x0  }
0x4: {  	s15 =	simm.s32 $0x0;
	s9 =	simm.s32 $0x0;
	s10 =	simm.s32 $0x0  }
.Ltmp0:
0x5: {  	s2 =	sadd.s32 $0x601000, s1;
	s4 =	sshll.u32 s3, $0x4;
	(pc) =	sbr.rel .LBB1_1-.Ltmp0, $4  }
0x6: {  	s3 =	sadd.s32 $0x701000, s1;
	s1 =	stileid.u32;
	s4 =	sand.u32 $0x10, s4  }
0x7: {  	s8 =	simm.s32 $0x0;
	[sflag:s5] =	ssyncpa.u1 $0x0;
	s6 =	sor.u32 s1, s4  }
0x8: {  	[sflag:s7] =	ssyncpa.u1 $0x0;
	s4 =	sand.u32 $0x3, s1;
	s6 =	sshrl.u32 s6, $0x2  }
0x9: {  	s7 =	simm.s32 $0x80;
	s12 =	smov.u32 s4;
	s11 =	smov.u32 s6  }
.LBB1_7:
0xa: {  	s0 =	sadd.s32 $0x200, s9  }
0xb: {  	s13 =	sadd.s32 $0x40, s10;
	s17 =	smov.u32 s10;
	p1 =	sgt.s32 s0, $0xFFF  }
0xc: {  	s17 =	smov.u32 @p1 s13  }
0xd: {  	s18 =	smov.u32 s11;
	s13 =	sadd.s32 $0x8, s11;
	p2 =	sgt.s32 s17, $0x3F  }
0xe: {  	s18 =	smov.u32 @p2 s13  }
0xf: {  	s19 =	smov.u32 s12;
	s13 =	sadd.s32 $0x4, s12;
	p3 =	sgt.s32 s18, $0xF  }
0x10: {  	p0 =	slt.u32 s8, $0x2;
	s19 =	smov.u32 @p3 s13  }
0x11: {  	s8 =	sadd.s32 $0x1, s8;
	s0 =	simm.s32 @p1 $0x0;
	p1 =	sgt.s32 s19, $0x3  }
0x12: {  	s19 =	smov.u32 @p1 s4;
	p1 =	sne.s32 s8, $0x12  }
.Ltmp1:
0x13: {  	s16 =	smov.u32 s9;
	s20 =	simm.s32 @!p0 $0x2;
	(pc) =	sbr.rel @!p1 .LBB1_8-.Ltmp1, $4  }
0x14: {  	s14 =	smov.u32 s11;
	s15 =	smov.u32 s12;
	_ =	swait.ge @!p0 [sflag:s20], $0x4000  }
0x15: {  	[sflag:s20] =	ssyncset.done @!p0 $0x0;
	s9 =	smov.u32 s0;
	s17 =	simm.s32 @p2 $0x0  }
0x16: {  	[sflag:s20] =	ssyncadd.s32 @!p0 $0xFFFFC000;
	s18 =	smov.u32 @p3 s6;
	s13 =	smov.u32 s10  }
0x17: {  	s10 =	smov.u32 s17;
	s11 =	smov.u32 s18;
	s12 =	smov.u32 s19  }
.LBB1_1:
0x18: {  	p0 =	sgt.u32 s8, $0xF  }
0x19: {  	s17 =	sshll.u32 @!p0 s10, $0xC;
	s18 =	sshll.u32 @!p0 s9, $0x3;
	s19 =	sshll.u32 @!p0 s10, $0x7  }
0x1a: {  	s20 =	sshll.u32 @!p0 s9, $0x1;
	s19 =	sand.u32 @!p0 $0x300, s19;
	s21 =	sand.u32 @!p0 $0xC00, s18  }
0x1b: {  	s17 =	sand.u32 @!p0 $0x38000, s17;
	s20 =	sand.u32 @!p0 $0xF0, s20;
	s19 =	sor.u32 @!p0 s19, s21  }
0x1c: {  	s17 =	sadd.s32 @!p0 s17, s18;
	s18 =	sor.u32 @!p0 s20, s19;
	s19 =	sshll.u32 @!p0 s12, $0x12  }
0x1d: {  	s20 =	sshll.u32 @!p0 s11, $0xE;
	s17 =	sshrl.u32 @!p0 s17, $0x4;
	s19 =	sadd.s32 @!p0 s2, s19  }
0x1e: {  	s21 =	sxor.u32 @!p0 $0xFFFFFFFF, s8;
	s17 =	sand.u32 @!p0 $0x3F00, s17;
	s19 =	sadd.s32 @!p0 s20, s19  }
0x1f: {  	s18 =	sshrl.u32 @!p0 s18, $0x4;
	s17 =	sadd.s32 @!p0 s17, s19;
	s19 =	sand.u32 @!p0 $0x7, s9  }
0x20: {  	s17 =	sadd.s32 @!p0 s18, s17;
	s18 =	sshll.u32 @!p0 s21, $0xE;
	s19 =	sshll.u32 @!p0 s19, $0x12  }
0x21: {  	s20 =	simm.s32 @!p0 $0x4000;
	s18 =	sand.u32 @!p0 $0x4000, s18;
	s19 =	sor.u32 @!p0 $0x800, s19  }
0x22: {  	[tilespmem:s18], [sflag:$0x1] =	stream.strided.gather @!p0 [hbm4b:s17+s19], $0x4000, s20, s19, $0x38;
	[tilespmem:$0x10200] =	vst v63  }
0x23: {  	p0 =	seq.s32 s8, $0x0  }
0x24: {  	p1 =	seq.s32 @!p0 s8, $0x11  }
0x25: {  	p0 =	por p0, p1  }
.Ltmp2:
0x26: {  	_ = 	snop;
	(pc) =	sbr.rel @p0 .LBB1_7-.Ltmp2, $1  }
0x27: {  	_ =	sdelay $0x3  }
0x28: {  	s17 =	sand.u32 $0x1, s8  }
0x29: {  	_ =	swait.ge [sflag:s5], $0x4000;
	s18 =	smul.u32 $0x10400, s17  }
0x2a: {  	[sflag:s5] =	ssyncset.done $0x0  }
0x2b: {  	[sflag:s5] =	ssyncadd.s32 $0xFFFFC000;
	s19 =	sshrl.u32 s18, $0x2  }
0x2c: {  	s18 =	sshll.u32 s17, $0xE;
	s17 =	sor.u32 $0x8000, s19;
	s19 =	simm.s32 $0x0  }
.LBB1_3:
0x2d: {  	s20 =	sshll.u32 s19, $0x9  }
0x2e: {  	s21 =	sshll.u32 s19, $0x7;
	s22 =	sshll.u32 s19, $0x6;
	s30 =	sshll.u32 s19, $0x1  }
0x2f: {  	s31 =	sand.u32 $0x1E, s19;
	s23 =	sand.u32 $0x3FFFFFE0, s19;
	s25 =	sshrl.u32 s19, $0x5  }
0x30: {  	p0 =	por $0x1, $0x1;
	s28 =	simm.s32 $0x0;
	s20 =	sand.u32 $0x7000, s20  }
0x31: {  	s21 =	sand.u32 $0x300, s21;
	s29 =	sand.u32 $0x80, s22;
	s22 =	sadd.s32 s31, s17  }
0x32: {  	s20 =	sor.u32 s20, s21;
	s24 =	sadd.s32 s29, s18;
	s21 =	sshra.s32 s30, $0x1  }
0x33: {  	s22 =	sadd.s32 s23, s22;
	s23 =	sxor.u32 $0xFFFFFFFF, s25;
	s21 =	sadd.s32 s21, s17;
	v0 =	vmov s24  }
.LBB1_4:
0x34: {  	s24 =	sshll.u32 s28, $0x3  }
0x35: {  	s24 =	sor.u32 s24, s20  }
0x36: {  	s24 =	sshrl.u32 s24, $0x1  }
0x37: {  	s25 =	sand.u32 $0x3D00, s24  }
0x38: {  	v1 =	vld.idx.msk [tilespmem:v0+s25+$0x0 ss:$0x1], $0xffff  }
0x39: {  	v2 =	vld.idx.msk [tilespmem:v0+s25+$0x10 ss:$0x1], $0xffff  }
0x3a: {  	v3 =	vld.idx.msk [tilespmem:v0+s25+$0x20 ss:$0x1], $0xffff  }
0x3b: {  	s27 =	sor.u32 $0x80, s28;
	v4 =	vld.idx.msk [tilespmem:v0+s25+$0x30 ss:$0x1], $0xffff  }
0x3c: {  	s30 =	sshll.u32 s27, $0x3  }
0x3d: {  	s29 =	smul.u32 $0x82, s28;
	s26 =	sor.u32 $0xA0, s28;
	s24 =	sor.u32 s20, s30;
	v6 =	vld.idx.msk [tilespmem:v0+s25+$0x50 ss:$0x1], $0xffff  }
0x3e: {  	s0 =	sand.u32 s23, s28;
	s31 =	sshll.u32 s26, $0x3;
	v5 =	vld.idx.msk [tilespmem:v0+s25+$0x40 ss:$0x1], $0xffff;
	s24 =	sshrl.u32 s24, $0x1  }
0x3f: {  	s0 =	smul.u32 $0x82, s0;
	v8 =	vld.idx.msk [tilespmem:v0+s25+$0x60 ss:$0x1], $0xffff;
	s30 =	sand.u32 $0x3F00, s24;
	s24 =	sor.u32 $0xC0, s28;
	v2 =	vperm.xlane.i2c.b16 v2;
	v1 =	vperm.xlane.i2c.b16 v1  }
0x40: {  	s29 =	sshra.s32 s29, $0x2;
	v7 =	vld.idx.msk [tilespmem:v0+s30+$0x0 ss:$0x1], $0xffff;
	s30 =	sand.u32 $0xC00, s31;
	s31 =	sshll.u32 s24, $0x3;
	v4 =	vperm.xlane.i2c.b16 v4;
	v3 =	vperm.xlane.i2c.b16 v3  }
0x41: {  	s29 =	sadd.s32 s29, s21;
	s30 =	sor.u32 s20, s30;
	s31 =	sand.u32 $0xC00, s31;
	v9 =	vcombine.low v1, v2;
	v1 =	vcombine.high v1, v2;
	v2 =	vld.idx.msk [tilespmem:v0+s25+$0x70 ss:$0x1], $0xffff  }
0x42: {  	s0 =	sshra.s32 s0, $0x2;
	v10 =	vld.idx.msk [tilespmem:v0+s25+$0x210 ss:$0x1], $0xffff;
	s30 =	sshrl.u32 s30, $0x1;
	s31 =	sor.u32 s20, s31;
	v6 =	vperm.xlane.i2c.b16 v6  }
0x43: {  	s28 =	sor.u32 $0xE0, s28;
	s30 =	sand.u32 $0x3F00, s30;
	s31 =	sshrl.u32 s31, $0x1;
	v5 =	vperm.xlane.i2c.b16 v5;
	v51 =	vcombine.low v3, v4  }
0x44: {  	s0 =	sadd.s32 s0, s22;
	v54 =	vperm.xlane.i2c.b16 v8;
	v11 =	vld.idx.msk [tilespmem:v0+s30+$0x20 ss:$0x1], $0xffff;
	s30 =	sand.u32 $0x3F00, s31;
	s31 =	sshll.u32 s28, $0x3;
	[tilespmem:s29+$0x0 ss:$0x41] =	vst.msk $0xffff, v9  }
0x45: {  	v53 =	vld.idx.msk [tilespmem:v0+s25+$0x230 ss:$0x1], $0xffff;
	v3 =	vcombine.high v3, v4;
	s31 =	sand.u32 $0xC00, s31;
	v52 =	vcombine.high v5, v6;
	[tilespmem:s0+$0x410 ss:$0x41] =	vst.msk $0xffff, v51  }
0x46: {  	v12 =	vld.idx.msk [tilespmem:v0+s30+$0x40 ss:$0x1], $0xffff;
	s31 =	sor.u32 s20, s31;
	[tilespmem:s29+$0x1 ss:$0x41] =	vst.msk $0xffff, v1;
	v1 =	vcombine.low v5, v6;
	v2 =	vperm.xlane.i2c.b16 v2  }
0x47: {  	s27 =	smul.u32 $0x82, s27;
	v55 =	vld.idx.msk [tilespmem:v0+s25+$0x250 ss:$0x1], $0xffff;
	v7 =	vperm.xlane.i2c.b16 v7;
	s29 =	sshrl.u32 s31, $0x1;
	[tilespmem:s0+$0x411 ss:$0x41] =	vst.msk $0xffff, v3;
	v3 =	vperm.xlane.i2c.b16 v10  }
0x48: {  	v57 =	vld.idx.msk [tilespmem:v0+s25+$0x270 ss:$0x1], $0xffff;
	s29 =	sand.u32 $0x3F00, s29;
	[tilespmem:s0+$0x820 ss:$0x41] =	vst.msk $0xffff, v1;
	v1 =	vcombine.low v54, v2  }
0x49: {  	v59 =	vperm.xlane.i2c.b16 v11;
	v56 =	vld.idx.msk [tilespmem:v0+s29+$0x60 ss:$0x1], $0xffff;
	v58 =	vcombine.low v7, v3;
	s29 =	sshra.s32 s27, $0x2;
	[tilespmem:s0+$0x821 ss:$0x41] =	vst.msk $0xffff, v52  }
0x4a: {  	s26 =	smul.u32 $0x82, s26;
	s30 =	sadd.s32 s29, s21;
	v2 =	vcombine.high v54, v2;
	[tilespmem:s0+$0xC30 ss:$0x41] =	vst.msk $0xffff, v1;
	v1 =	vperm.xlane.i2c.b16 v53  }
0x4b: {  	v3 =	vcombine.high v7, v3;
	v60 =	vperm.xlane.i2c.b16 v12;
	[tilespmem:s30+$0x0 ss:$0x41] =	vst.msk $0xffff, v58  }
0x4c: {  	s24 =	smul.u32 $0x82, s24;
	s31 =	sshra.s32 s26, $0x2;
	[tilespmem:s0+$0xC31 ss:$0x41] =	vst.msk $0xffff, v2;
	v2 =	vperm.xlane.i2c.b16 v55;
	v61 =	vcombine.low v59, v1  }
0x4d: {  	v62 =	vperm.xlane.i2c.b16 v57;
	s26 =	sadd.s32 s31, s21;
	[tilespmem:s30+$0x1 ss:$0x41] =	vst.msk $0xffff, v3;
	v1 =	vcombine.high v59, v1  }
0x4e: {  	p1 =	por p0, p0;
	s24 =	sshra.s32 s24, $0x2;
	s27 =	smul.u32 $0x82, s28;
	v63 =	vperm.xlane.i2c.b16 v56;
	v3 =	vcombine.low v60, v2;
	[tilespmem:s26+$0x0 ss:$0x41] =	vst.msk $0xffff, v61  }
.Ltmp3:
0x4f: {  	s29 =	sadd.s32 s24, s21;
	[tilespmem:s26+$0x1 ss:$0x41] =	vst.msk $0xffff, v1;
	v1 =	vcombine.high v60, v2;
	(pc) =	sbr.rel @p1 .LBB1_4-.Ltmp3, $4  }
0x50: {  	s30 =	sshra.s32 s27, $0x2;
	[tilespmem:s29+$0x0 ss:$0x41] =	vst.msk $0xffff, v3;
	v2 =	vcombine.low v63, v62  }
0x51: {  	s31 =	sadd.s32 s30, s21;
	[tilespmem:s29+$0x1 ss:$0x41] =	vst.msk $0xffff, v1;
	v1 =	vcombine.high v63, v62  }
0x52: {  	[tilespmem:s31+$0x0 ss:$0x41] =	vst.msk $0xffff, v2  }
0x53: {  	p0 =	por $0x0, $0x0;
	s28 =	simm.s32 $0x100;
	[tilespmem:s31+$0x1 ss:$0x41] =	vst.msk $0xffff, v1  }
0x54: {  	p0 =	slt.u32 s19, $0x3E  }
.Ltmp4:
0x55: {  	_ = 	snop;
	(pc) =	sbr.rel @p0 .LBB1_3-.Ltmp4, $3  }
0x56: {  	_ =	sdelay $0x1  }
0x57: {  	s0 =	sadd.s32 $0x2, s19  }
0x58: {  	s19 =	smov.u32 s0  }
0x59: {  	s0 =	sshll.u32 s16, $0x7  }
0x5a: {  	s27 =	sshll.u32 s13, $0x3;
	s28 =	sshll.u32 s13, $0x1;
	s15 =	sshll.u32 s15, $0x13  }
0x5b: {  	s14 =	sshll.u32 s14, $0xF;
	s18 =	sand.u32 $0x7FC00, s0;
	s16 =	sand.u32 $0x7FC00, s27  }
0x5c: {  	s30 =	sshrl.u32 s13, $0x3;
	s0 =	sand.u32 $0x300, s0;
	s16 =	sadd.s32 s16, s18  }
0x5d: {  	s31 =	sand.u32 $0x7, s13;
	s29 =	sand.u32 $0x80, s28;
	s0 =	sor.u32 s0, s16  }
.Ltmp5:
0x5e: {  	s15 =	sadd.s32 s3, s15;
	s0 =	sor.u32 s29, s0;
	(pc) =	sbr.rel .LBB1_7-.Ltmp5, $4  }
0x5f: {  	s14 =	sadd.s32 s14, s15;
	s16 =	sand.u32 $0x7, s30;
	s0 =	sshrl.u32 s0, $0x4  }
0x60: {  	s13 =	sshll.u32 s31, $0x12;
	s14 =	sadd.s32 s16, s14;
	s0 =	sand.u32 $0x7FF8, s0  }
0x61: {  	s13 =	sor.u32 $0x40, s13;
	s0 =	sadd.s32 s0, s14  }
0x62: {  	[hbm4b:s0+s13] =	stream.strided.scatter [tilespmem:s17], [sflag:$0x2], $0x4000, s7, s13, $0x18;
	[tilespmem:$0x10200] =	vst v63  }
.LBB1_8:
0x63: {  	_ =	sfence.sel $0x180000  }
0x64: {  	s0 =	simm.s32 $0x1;
	[bflag:$0x0] =	sbarrier.arrive $0xFFFF  }
0x65: {  	s31 =	simm.s32 $0x2;
	[sflag:s0] =	ssyncpa.u1 $0x1  }
0x66: {  	[sflag:s31] =	ssyncpa.u1 $0x1  }
0x67: {  	_ =	strace $0x9000004D  }
0x68: {  	[bflag:$0x2] =	sbarrier.arrive $0xFFFF  }
0x69: {  	p0 =	sne.s32 s1, $0x0;
	s0 =	rddreg [dreg:$0x1]  }
0x6a: {  	s0 =	sadd.s32 @!p0 $0x100000, s0  }
0x6b: {  	[sflag:s0] =	ssyncadd.tile.s32 @!p0 $0x1;
	_ =	shalt  }
.Lfunc_end1:
_tile_overlayer_lowered:
.L_overlay_start_2:
0x6c: {  	(tag) =	ssettag $0x2  }
0x6d: {  	s0 =	rddreg [dreg:$0x0];
	s2 =	stileid.u32  }
0x6e: {  	s1 =	rddreg [dreg:$0x1];
	p0 =	sne.s32 s2, $0x0  }
0x6f: {  	s3 =	rddreg [dreg:$0x2];
	[bflag:$0x3] =	sbarrier.arrive $0xFFFF;
	s2 =	simm.s32 @!p0 $0x1C01  }
0x70: {  	[timem:s3], [sflag:s2] =	dma.local @!p0 [hbm:s0], s1  }
0x71: {  	s0 =	simm.s32 @!p0 $0x1  }
0x72: {  	_ =	swait.ge @!p0 [sflag:s0], s1  }
0x73: {  	s1 =	ssub.s32 @!p0 $0x0, s1;
	[sflag:s0] =	ssyncset.done @!p0 $0x0  }
0x74: {  	[sflag:s0] =	ssyncadd.s32 @!p0 s1  }
0x75: {  	[bflag:$0x3] =	sbarrier.arrive $0xFFFF  }
0x76: {  	_ =	shalt  }

// kernel: sparse-core-data-format-call.2.cloned.1.call-start
scs
called_computation.2_lowered:
.L_overlay_start_0:
0x0: {  	s2 =	sld [smem:$0x3FD9]  }
0x1: {  	s3 =	sld [smem:$0x3FFE];
	_ =	sdelay $0x1  }
0x2: {  	s1 =	srdreg.scid  }
0x3: {  	s0 =	sand.u32 $0x1, s1  }
0x4: {  	s18 =	sshll.u32 s0, $0xA;
	s2 =	sadd.s32 s3, s2  }
0x5: {  	s2 =	sadd.s32 s2, s18  }
0x6: {  	[smem:$0x3FC3] =	sst s2  }
0x7: {  	_ = 	snop  }
0x8: {  	(tm) =	ssettm $0x1  }
0x9: {  	s19 =	sld [smem:$0x3FFB];
	_ =	sdelay $0x3  }
0xa: {  	_ =	strace s19  }
0xb: {  	s2 =	sld [smem:$0x3FFC];
	_ =	sdelay $0x3  }
0xc: {  	_ =	strace s2  }
0xd: {  	s2 =	sld [smem:$0x3FFD];
	_ =	sdelay $0x3  }
0xe: {  	_ =	strace s2  }
0xf: {  	_ =	strace $0x8FFFFFFF  }
0x10: {  	s20 =	sld [smem:$0x3FDB];
	_ =	sdelay $0x1  }
0x11: {  	s21 =	simm.s32 $_scs_section_size  }
0x12: {  	s4 =	simm.s32 $_size__tile_overlayer_lowered;
	s5 =	simm.s32 $_tile_overlayer_lowered  }
0x13: {  	s6 =	simm.s32 $0x1BFF;
	s22 =	sshll.u32 s5, $0x1;
	s3 =	sadd.s32 s21, s20  }
0x14: {  	s23 =	simm.s32 $0x0;
	s4 =	sshll.u32 s4, $0x1;
	s5 =	sadd.s32 s22, s3  }
0x15: {  	[timem:s23], [sflag:s6] =	dma.local [hbm:s5], s4  }
0x16: {  	_ =	swait.ge [sflag:s6], s4  }
0x17: {  	s4 =	ssub.s32 $0x0, s4;
	[sflag:s6] =	ssyncset.done $0x0  }
0x18: {  	[sflag:s6] =	ssyncadd.s32 s4;
	_ =	sdelay $0x1  }
0x19: {  	s24 =	simm.s32 $0x1B8B  }
0x1a: {  	_ =	swait.ge [sflag:s24], $0x1  }
0x1b: {  	[sflag:s24] =	ssyncset.done $0x0  }
0x1c: {  	[sflag:s24] =	ssyncadd.s32 $0xFFFFFFFF  }
0x1d: {  	s4 =	sld [smem:$0x0]  }
0x1e: {  	s5 =	sand.u32 $0xFFFFFFFE, s1  }
0x1f: {  	p0 =	sne.s32 s1, s5  }
0x20: {  	s5 =	sshll.u32 @p0 s5, $0xE  }
0x21: {  	s5 =	sadd.s32 @p0 $0x11B8D, s5;
	s6 =	sshll.u32 @p0 s4, $0x11  }
0x22: {  	s5 =	sor.u32 @p0 s6, s5  }
0x23: {  	[sflag:s5] =	ssyncadd.remote.s32 @p0 $0x1;
	_ =	sdelay $0x1  }
0x24: {  	s5 =	simm.s32 @p0 $0x1B8D  }
0x25: {  	_ =	swait.eq @p0 [sflag:s5], $0x1  }
0x26: {  	[sflag:s5] =	ssyncadd.s32 @p0 $0xFFFFFFFF  }
0x27: {  	s6 =	sshll.u32 @!p0 s1, $0xE  }
0x28: {  	s6 =	sor.u32 @!p0 $0x4000, s6;
	s5 =	simm.s32 @!p0 $0x1B8D  }
0x29: {  	s4 =	sshll.u32 @!p0 s4, $0x11;
	s6 =	sadd.s32 @!p0 $0x11B8D, s6;
	_ =	swait.eq @!p0 [sflag:s5], $0x1  }
0x2a: {  	s4 =	sor.u32 @!p0 s4, s6;
	[sflag:s5] =	ssyncadd.s32 @!p0 $0xFFFFFFFF  }
0x2b: {  	s26 =	simm.s32 $0x1B8E;
	s25 =	sld [smem:$0x3FFE];
	[sflag:s4] =	ssyncadd.remote.s32 @!p0 $0x1  }
0x2c: {  	s27 =	simm.s32 $execute0_lowered;
	[smem:$0x3FD2] =	sst s26  }
0x2d: {  	s5 =	sshll.u32 s27, $0x1;
	_ =	strace $0x80000049;
	[dreg:$0x1] =	wrdreg $0xFFFFFFFF  }
0x2e: {  	s28 =	simm.s32 $_size_execute0_lowered;
	s3 =	sadd.s32 s3, s5;
	[dreg:$0x0] =	wrdreg $0x0  }
0x2f: {  	s5 =	sshll.u32 s28, $0x1;
	[dreg:$0x2] =	wrdreg s3  }
0x30: {  	[dreg:$0x3] =	wrdreg s5  }
0x31: {  	[dreg:$0x4] =	wrdreg $0xC0  }
0x32: {  	_ =	task [dreg:s23], $0x5FFFF  }
0x33: {  	[dreg:$0x1] =	wrdreg $0xFFFFFFFF  }
0x34: {  	[dreg:$0x0] =	wrdreg $0x60  }
0x35: {  	[dreg:$0x2] =	wrdreg s25  }
0x36: {  	[dreg:$0x3] =	wrdreg $0xB  }
0x37: {  	_ =	task.clear_ibuf [dreg:s23], $0x4FFFF;
	_ =	strace $0x90000049  }
0x38: {  	s29 =	simm.s32 $0xB;
	_ =	strace $0x8000004B  }
0x39: {  	_ =	swait.ge [sflag:s29], $0x1  }
0x3a: {  	[sflag:s29] =	ssyncadd.s32 $0xFFFFFFFF  }
0x3b: {  	_ =	strace $0x9000004B  }
0x3c: {  	_ =	sfence  }
0x3d: {  	s30 =	sld [smem:$0x0];
	_ =	sdelay $0x2  }
0x3e: {  	s31 =	sshll.u32 s1, $0xD;
	s1 =	sshrl.u32 s1, $0x2  }
0x3f: {  	s4 =	sand.u32 $0x4000, s31;
	s1 =	sadd.s32 s1, s30  }
0x40: {  	s0 =	sor.u32 s4, s0;
	s1 =	sshll.u32 s1, $0x11  }
0x41: {  	s0 =	sor.u32 s1, s0  }
0x42: {  	s0 =	sadd.s32 $0x8F2B, s0  }
0x43: {  	[sflag:s0] =	ssyncadd.remote.s32 $0x1  }
0x44: {  	_ =	sfence.sel $0xFFFF  }
0x45: {  	[dreg:$0x0] =	wrdreg $0xFFFFFFFF;
	(pc) =	sbr.abs _section_cstart, $3  }
0x46: {  	[dreg:$0x1] =	wrdreg $0xFFFFFFFF  }
0x47: {  	_ =	task.clear_ibuf [dreg:s23], $0x2FFFF;
	_ =	strace $0x9FFFFFFF  }
0x48: {  	(tm) =	ssettm $0x7FFFFFFF  }
0x49: {  	_ =	shalt  }
tec
execute0_lowered:
.L_overlay_start_1:
0x0: {  	(tag) =	ssettag $0x1  }
0x1: {  	s1 =	rddreg [dreg:$0x0];
	s3 =	srdreg.scid  }
0x2: {  	_ =	strace $0x8000004A;
	s5 =	simm.s32 $0x1;
	s7 =	simm.s32 $0x2  }
0x3: {  	s16 =	simm.s32 $0x0;
	s13 =	simm.s32 $0x0;
	s14 =	simm.s32 $0x0  }
0x4: {  	s15 =	simm.s32 $0x0;
	s9 =	simm.s32 $0x0;
	s10 =	simm.s32 $0x0  }
.Ltmp0:
0x5: {  	s2 =	sadd.s32 $0x501000, s1;
	s4 =	sshll.u32 s3, $0x4;
	(pc) =	sbr.rel .LBB1_1-.Ltmp0, $4  }
0x6: {  	s3 =	sadd.s32 $0x301000, s1;
	s1 =	stileid.u32;
	s4 =	sand.u32 $0x10, s4  }
0x7: {  	s8 =	simm.s32 $0x0;
	[sflag:s5] =	ssyncpa.u1 $0x0;
	s6 =	sor.u32 s1, s4  }
0x8: {  	[sflag:s7] =	ssyncpa.u1 $0x0;
	s4 =	sand.u32 $0x3, s1;
	s6 =	sshrl.u32 s6, $0x2  }
0x9: {  	s7 =	simm.s32 $0x80;
	s12 =	smov.u32 s4;
	s11 =	smov.u32 s6  }
.LBB1_7:
0xa: {  	s0 =	sadd.s32 $0x200, s9  }
0xb: {  	s13 =	sadd.s32 $0x40, s10;
	s17 =	smov.u32 s10;
	p1 =	sgt.s32 s0, $0xFFF  }
0xc: {  	s17 =	smov.u32 @p1 s13  }
0xd: {  	s18 =	smov.u32 s11;
	s13 =	sadd.s32 $0x8, s11;
	p2 =	sgt.s32 s17, $0x3F  }
0xe: {  	s18 =	smov.u32 @p2 s13  }
0xf: {  	s19 =	smov.u32 s12;
	s13 =	sadd.s32 $0x4, s12;
	p3 =	sgt.s32 s18, $0xF  }
0x10: {  	p0 =	slt.u32 s8, $0x2;
	s19 =	smov.u32 @p3 s13  }
0x11: {  	s8 =	sadd.s32 $0x1, s8;
	s0 =	simm.s32 @p1 $0x0;
	p1 =	sgt.s32 s19, $0x3  }
0x12: {  	s19 =	smov.u32 @p1 s4;
	p1 =	sne.s32 s8, $0x12  }
.Ltmp1:
0x13: {  	s16 =	smov.u32 s9;
	s20 =	simm.s32 @!p0 $0x2;
	(pc) =	sbr.rel @!p1 .LBB1_8-.Ltmp1, $4  }
0x14: {  	s14 =	smov.u32 s11;
	s15 =	smov.u32 s12;
	_ =	swait.ge @!p0 [sflag:s20], $0x4000  }
0x15: {  	[sflag:s20] =	ssyncset.done @!p0 $0x0;
	s9 =	smov.u32 s0;
	s17 =	simm.s32 @p2 $0x0  }
0x16: {  	[sflag:s20] =	ssyncadd.s32 @!p0 $0xFFFFC000;
	s18 =	smov.u32 @p3 s6;
	s13 =	smov.u32 s10  }
0x17: {  	s10 =	smov.u32 s17;
	s11 =	smov.u32 s18;
	s12 =	smov.u32 s19  }
.LBB1_1:
0x18: {  	p0 =	sgt.u32 s8, $0xF  }
0x19: {  	s17 =	sshll.u32 @!p0 s10, $0xC;
	s18 =	sshll.u32 @!p0 s9, $0x3;
	s19 =	sshll.u32 @!p0 s10, $0x7  }
0x1a: {  	s20 =	sshll.u32 @!p0 s9, $0x1;
	s19 =	sand.u32 @!p0 $0x300, s19;
	s21 =	sand.u32 @!p0 $0xC00, s18  }
0x1b: {  	s17 =	sand.u32 @!p0 $0x38000, s17;
	s20 =	sand.u32 @!p0 $0xF0, s20;
	s19 =	sor.u32 @!p0 s19, s21  }
0x1c: {  	s17 =	sadd.s32 @!p0 s17, s18;
	s18 =	sor.u32 @!p0 s20, s19;
	s19 =	sshll.u32 @!p0 s12, $0x12  }
0x1d: {  	s20 =	sshll.u32 @!p0 s11, $0xE;
	s17 =	sshrl.u32 @!p0 s17, $0x4;
	s19 =	sadd.s32 @!p0 s2, s19  }
0x1e: {  	s21 =	sxor.u32 @!p0 $0xFFFFFFFF, s8;
	s17 =	sand.u32 @!p0 $0x3F00, s17;
	s19 =	sadd.s32 @!p0 s20, s19  }
0x1f: {  	s18 =	sshrl.u32 @!p0 s18, $0x4;
	s17 =	sadd.s32 @!p0 s17, s19;
	s19 =	sand.u32 @!p0 $0x7, s9  }
0x20: {  	s17 =	sadd.s32 @!p0 s18, s17;
	s18 =	sshll.u32 @!p0 s21, $0xE;
	s19 =	sshll.u32 @!p0 s19, $0x12  }
0x21: {  	s20 =	simm.s32 @!p0 $0x4000;
	s18 =	sand.u32 @!p0 $0x4000, s18;
	s19 =	sor.u32 @!p0 $0x800, s19  }
0x22: {  	[tilespmem:s18], [sflag:$0x1] =	stream.strided.gather @!p0 [hbm4b:s17+s19], $0x4000, s20, s19, $0x38;
	[tilespmem:$0x10200] =	vst v63  }
0x23: {  	p0 =	seq.s32 s8, $0x0  }
0x24: {  	p1 =	seq.s32 @!p0 s8, $0x11  }
0x25: {  	p0 =	por p0, p1  }
.Ltmp2:
0x26: {  	_ = 	snop;
	(pc) =	sbr.rel @p0 .LBB1_7-.Ltmp2, $1  }
0x27: {  	_ =	sdelay $0x3  }
0x28: {  	s17 =	sand.u32 $0x1, s8  }
0x29: {  	_ =	swait.ge [sflag:s5], $0x4000;
	s18 =	smul.u32 $0x10400, s17  }
0x2a: {  	[sflag:s5] =	ssyncset.done $0x0  }
0x2b: {  	[sflag:s5] =	ssyncadd.s32 $0xFFFFC000;
	s19 =	sshrl.u32 s18, $0x2  }
0x2c: {  	s18 =	sshll.u32 s17, $0xE;
	s17 =	sor.u32 $0x8000, s19;
	s19 =	simm.s32 $0x0  }
.LBB1_3:
0x2d: {  	s20 =	sshll.u32 s19, $0x9  }
0x2e: {  	s21 =	sshll.u32 s19, $0x7;
	s22 =	sshll.u32 s19, $0x6;
	s30 =	sshll.u32 s19, $0x1  }
0x2f: {  	s31 =	sand.u32 $0x1E, s19;
	s23 =	sand.u32 $0x3FFFFFE0, s19;
	s25 =	sshrl.u32 s19, $0x5  }
0x30: {  	p0 =	por $0x1, $0x1;
	s28 =	simm.s32 $0x0;
	s20 =	sand.u32 $0x7000, s20  }
0x31: {  	s21 =	sand.u32 $0x300, s21;
	s29 =	sand.u32 $0x80, s22;
	s22 =	sadd.s32 s31, s17  }
0x32: {  	s20 =	sor.u32 s20, s21;
	s24 =	sadd.s32 s29, s18;
	s21 =	sshra.s32 s30, $0x1  }
0x33: {  	s22 =	sadd.s32 s23, s22;
	s23 =	sxor.u32 $0xFFFFFFFF, s25;
	s21 =	sadd.s32 s21, s17;
	v0 =	vmov s24  }
.LBB1_4:
0x34: {  	s24 =	sshll.u32 s28, $0x3  }
0x35: {  	s24 =	sor.u32 s24, s20  }
0x36: {  	s24 =	sshrl.u32 s24, $0x1  }
0x37: {  	s25 =	sand.u32 $0x3D00, s24  }
0x38: {  	v1 =	vld.idx.msk [tilespmem:v0+s25+$0x0 ss:$0x1], $0xffff  }
0x39: {  	v2 =	vld.idx.msk [tilespmem:v0+s25+$0x10 ss:$0x1], $0xffff  }
0x3a: {  	v3 =	vld.idx.msk [tilespmem:v0+s25+$0x20 ss:$0x1], $0xffff  }
0x3b: {  	s27 =	sor.u32 $0x80, s28;
	v4 =	vld.idx.msk [tilespmem:v0+s25+$0x30 ss:$0x1], $0xffff  }
0x3c: {  	s30 =	sshll.u32 s27, $0x3  }
0x3d: {  	s29 =	smul.u32 $0x82, s28;
	s26 =	sor.u32 $0xA0, s28;
	s24 =	sor.u32 s20, s30;
	v6 =	vld.idx.msk [tilespmem:v0+s25+$0x50 ss:$0x1], $0xffff  }
0x3e: {  	s0 =	sand.u32 s23, s28;
	s31 =	sshll.u32 s26, $0x3;
	v5 =	vld.idx.msk [tilespmem:v0+s25+$0x40 ss:$0x1], $0xffff;
	s24 =	sshrl.u32 s24, $0x1  }
0x3f: {  	s0 =	smul.u32 $0x82, s0;
	v8 =	vld.idx.msk [tilespmem:v0+s25+$0x60 ss:$0x1], $0xffff;
	s30 =	sand.u32 $0x3F00, s24;
	s24 =	sor.u32 $0xC0, s28;
	v2 =	vperm.xlane.i2c.b16 v2;
	v1 =	vperm.xlane.i2c.b16 v1  }
0x40: {  	s29 =	sshra.s32 s29, $0x2;
	v7 =	vld.idx.msk [tilespmem:v0+s30+$0x0 ss:$0x1], $0xffff;
	s30 =	sand.u32 $0xC00, s31;
	s31 =	sshll.u32 s24, $0x3;
	v4 =	vperm.xlane.i2c.b16 v4;
	v3 =	vperm.xlane.i2c.b16 v3  }
0x41: {  	s29 =	sadd.s32 s29, s21;
	s30 =	sor.u32 s20, s30;
	s31 =	sand.u32 $0xC00, s31;
	v9 =	vcombine.low v1, v2;
	v1 =	vcombine.high v1, v2;
	v2 =	vld.idx.msk [tilespmem:v0+s25+$0x70 ss:$0x1], $0xffff  }
0x42: {  	s0 =	sshra.s32 s0, $0x2;
	v10 =	vld.idx.msk [tilespmem:v0+s25+$0x210 ss:$0x1], $0xffff;
	s30 =	sshrl.u32 s30, $0x1;
	s31 =	sor.u32 s20, s31;
	v6 =	vperm.xlane.i2c.b16 v6  }
0x43: {  	s28 =	sor.u32 $0xE0, s28;
	s30 =	sand.u32 $0x3F00, s30;
	s31 =	sshrl.u32 s31, $0x1;
	v5 =	vperm.xlane.i2c.b16 v5;
	v51 =	vcombine.low v3, v4  }
0x44: {  	s0 =	sadd.s32 s0, s22;
	v54 =	vperm.xlane.i2c.b16 v8;
	v11 =	vld.idx.msk [tilespmem:v0+s30+$0x20 ss:$0x1], $0xffff;
	s30 =	sand.u32 $0x3F00, s31;
	s31 =	sshll.u32 s28, $0x3;
	[tilespmem:s29+$0x0 ss:$0x41] =	vst.msk $0xffff, v9  }
0x45: {  	v53 =	vld.idx.msk [tilespmem:v0+s25+$0x230 ss:$0x1], $0xffff;
	v3 =	vcombine.high v3, v4;
	s31 =	sand.u32 $0xC00, s31;
	v52 =	vcombine.high v5, v6;
	[tilespmem:s0+$0x410 ss:$0x41] =	vst.msk $0xffff, v51  }
0x46: {  	v12 =	vld.idx.msk [tilespmem:v0+s30+$0x40 ss:$0x1], $0xffff;
	s31 =	sor.u32 s20, s31;
	[tilespmem:s29+$0x1 ss:$0x41] =	vst.msk $0xffff, v1;
	v1 =	vcombine.low v5, v6;
	v2 =	vperm.xlane.i2c.b16 v2  }
0x47: {  	s27 =	smul.u32 $0x82, s27;
	v55 =	vld.idx.msk [tilespmem:v0+s25+$0x250 ss:$0x1], $0xffff;
	v7 =	vperm.xlane.i2c.b16 v7;
	s29 =	sshrl.u32 s31, $0x1;
	[tilespmem:s0+$0x411 ss:$0x41] =	vst.msk $0xffff, v3;
	v3 =	vperm.xlane.i2c.b16 v10  }
0x48: {  	v57 =	vld.idx.msk [tilespmem:v0+s25+$0x270 ss:$0x1], $0xffff;
	s29 =	sand.u32 $0x3F00, s29;
	[tilespmem:s0+$0x820 ss:$0x41] =	vst.msk $0xffff, v1;
	v1 =	vcombine.low v54, v2  }
0x49: {  	v59 =	vperm.xlane.i2c.b16 v11;
	v56 =	vld.idx.msk [tilespmem:v0+s29+$0x60 ss:$0x1], $0xffff;
	v58 =	vcombine.low v7, v3;
	s29 =	sshra.s32 s27, $0x2;
	[tilespmem:s0+$0x821 ss:$0x41] =	vst.msk $0xffff, v52  }
0x4a: {  	s26 =	smul.u32 $0x82, s26;
	s30 =	sadd.s32 s29, s21;
	v2 =	vcombine.high v54, v2;
	[tilespmem:s0+$0xC30 ss:$0x41] =	vst.msk $0xffff, v1;
	v1 =	vperm.xlane.i2c.b16 v53  }
0x4b: {  	v3 =	vcombine.high v7, v3;
	v60 =	vperm.xlane.i2c.b16 v12;
	[tilespmem:s30+$0x0 ss:$0x41] =	vst.msk $0xffff, v58  }
0x4c: {  	s24 =	smul.u32 $0x82, s24;
	s31 =	sshra.s32 s26, $0x2;
	[tilespmem:s0+$0xC31 ss:$0x41] =	vst.msk $0xffff, v2;
	v2 =	vperm.xlane.i2c.b16 v55;
	v61 =	vcombine.low v59, v1  }
0x4d: {  	v62 =	vperm.xlane.i2c.b16 v57;
	s26 =	sadd.s32 s31, s21;
	[tilespmem:s30+$0x1 ss:$0x41] =	vst.msk $0xffff, v3;
	v1 =	vcombine.high v59, v1  }
0x4e: {  	p1 =	por p0, p0;
	s24 =	sshra.s32 s24, $0x2;
	s27 =	smul.u32 $0x82, s28;
	v63 =	vperm.xlane.i2c.b16 v56;
	v3 =	vcombine.low v60, v2;
	[tilespmem:s26+$0x0 ss:$0x41] =	vst.msk $0xffff, v61  }
.Ltmp3:
0x4f: {  	s29 =	sadd.s32 s24, s21;
	[tilespmem:s26+$0x1 ss:$0x41] =	vst.msk $0xffff, v1;
	v1 =	vcombine.high v60, v2;
	(pc) =	sbr.rel @p1 .LBB1_4-.Ltmp3, $4  }
0x50: {  	s30 =	sshra.s32 s27, $0x2;
	[tilespmem:s29+$0x0 ss:$0x41] =	vst.msk $0xffff, v3;
	v2 =	vcombine.low v63, v62  }
0x51: {  	s31 =	sadd.s32 s30, s21;
	[tilespmem:s29+$0x1 ss:$0x41] =	vst.msk $0xffff, v1;
	v1 =	vcombine.high v63, v62  }
0x52: {  	[tilespmem:s31+$0x0 ss:$0x41] =	vst.msk $0xffff, v2  }
0x53: {  	p0 =	por $0x0, $0x0;
	s28 =	simm.s32 $0x100;
	[tilespmem:s31+$0x1 ss:$0x41] =	vst.msk $0xffff, v1  }
0x54: {  	p0 =	slt.u32 s19, $0x3E  }
.Ltmp4:
0x55: {  	_ = 	snop;
	(pc) =	sbr.rel @p0 .LBB1_3-.Ltmp4, $3  }
0x56: {  	_ =	sdelay $0x1  }
0x57: {  	s0 =	sadd.s32 $0x2, s19  }
0x58: {  	s19 =	smov.u32 s0  }
0x59: {  	s0 =	sshll.u32 s16, $0x7  }
0x5a: {  	s27 =	sshll.u32 s13, $0x3;
	s28 =	sshll.u32 s13, $0x1;
	s15 =	sshll.u32 s15, $0x13  }
0x5b: {  	s14 =	sshll.u32 s14, $0xF;
	s18 =	sand.u32 $0x7FC00, s0;
	s16 =	sand.u32 $0x7FC00, s27  }
0x5c: {  	s30 =	sshrl.u32 s13, $0x3;
	s0 =	sand.u32 $0x300, s0;
	s16 =	sadd.s32 s16, s18  }
0x5d: {  	s31 =	sand.u32 $0x7, s13;
	s29 =	sand.u32 $0x80, s28;
	s0 =	sor.u32 s0, s16  }
.Ltmp5:
0x5e: {  	s15 =	sadd.s32 s3, s15;
	s0 =	sor.u32 s29, s0;
	(pc) =	sbr.rel .LBB1_7-.Ltmp5, $4  }
0x5f: {  	s14 =	sadd.s32 s14, s15;
	s16 =	sand.u32 $0x7, s30;
	s0 =	sshrl.u32 s0, $0x4  }
0x60: {  	s13 =	sshll.u32 s31, $0x12;
	s14 =	sadd.s32 s16, s14;
	s0 =	sand.u32 $0x7FF8, s0  }
0x61: {  	s13 =	sor.u32 $0x40, s13;
	s0 =	sadd.s32 s0, s14  }
0x62: {  	[hbm4b:s0+s13] =	stream.strided.scatter [tilespmem:s17], [sflag:$0x2], $0x4000, s7, s13, $0x18;
	[tilespmem:$0x10200] =	vst v63  }
.LBB1_8:
0x63: {  	_ =	sfence.sel $0x180000  }
0x64: {  	s0 =	simm.s32 $0x1;
	[bflag:$0x0] =	sbarrier.arrive $0xFFFF  }
0x65: {  	s31 =	simm.s32 $0x2;
	[sflag:s0] =	ssyncpa.u1 $0x1  }
0x66: {  	[sflag:s31] =	ssyncpa.u1 $0x1  }
0x67: {  	_ =	strace $0x9000004A  }
0x68: {  	[bflag:$0x2] =	sbarrier.arrive $0xFFFF  }
0x69: {  	p0 =	sne.s32 s1, $0x0;
	s0 =	rddreg [dreg:$0x1]  }
0x6a: {  	s0 =	sadd.s32 @!p0 $0x100000, s0  }
0x6b: {  	[sflag:s0] =	ssyncadd.tile.s32 @!p0 $0x1;
	_ =	shalt  }
.Lfunc_end1:
_tile_overlayer_lowered:
.L_overlay_start_2:
0x6c: {  	(tag) =	ssettag $0x2  }
0x6d: {  	s0 =	rddreg [dreg:$0x0];
	s2 =	stileid.u32  }
0x6e: {  	s1 =	rddreg [dreg:$0x1];
	p0 =	sne.s32 s2, $0x0  }
0x6f: {  	s3 =	rddreg [dreg:$0x2];
	[bflag:$0x3] =	sbarrier.arrive $0xFFFF;
	s2 =	simm.s32 @!p0 $0x1C01  }
0x70: {  	[timem:s3], [sflag:s2] =	dma.local @!p0 [hbm:s0], s1  }
0x71: {  	s0 =	simm.s32 @!p0 $0x1  }
0x72: {  	_ =	swait.ge @!p0 [sflag:s0], s1  }
0x73: {  	s1 =	ssub.s32 @!p0 $0x0, s1;
	[sflag:s0] =	ssyncset.done @!p0 $0x0  }
0x74: {  	[sflag:s0] =	ssyncadd.s32 @!p0 s1  }
0x75: {  	[bflag:$0x3] =	sbarrier.arrive $0xFFFF  }
0x76: {  	_ =	shalt  }

// kernel: sparse-core-data-format-call.cloned.1.call-start
scs
called_computation_lowered:
.L_overlay_start_0:
0x0: {  	s1 =	sld [smem:$0x3FD9]  }
0x1: {  	s2 =	sld [smem:$0x3FFE];
	_ =	sdelay $0x1  }
0x2: {  	s3 =	srdreg.scid  }
0x3: {  	s0 =	sand.u32 $0x1, s3  }
0x4: {  	s17 =	sshll.u32 s0, $0xA;
	s1 =	sadd.s32 s2, s1  }
0x5: {  	s1 =	sadd.s32 s1, s17  }
0x6: {  	[smem:$0x3FC3] =	sst s1  }
0x7: {  	_ = 	snop  }
0x8: {  	(tm) =	ssettm $0x1  }
0x9: {  	s18 =	sld [smem:$0x3FFB];
	_ =	sdelay $0x3  }
0xa: {  	_ =	strace s18  }
0xb: {  	s1 =	sld [smem:$0x3FFC];
	_ =	sdelay $0x3  }
0xc: {  	_ =	strace s1  }
0xd: {  	s1 =	sld [smem:$0x3FFD];
	_ =	sdelay $0x3  }
0xe: {  	_ =	strace s1  }
0xf: {  	_ =	strace $0x8FFFFFFF  }
0x10: {  	s19 =	sld [smem:$0x3FDB];
	_ =	sdelay $0x1  }
0x11: {  	s20 =	simm.s32 $_scs_section_size  }
0x12: {  	s4 =	simm.s32 $_size__tile_overlayer_lowered;
	s5 =	simm.s32 $_tile_overlayer_lowered  }
0x13: {  	s23 =	simm.s32 $0x1BFF;
	s22 =	sshll.u32 s5, $0x1;
	s1 =	sadd.s32 s20, s19  }
0x14: {  	s6 =	simm.s32 $0x0;
	s21 =	sshll.u32 s4, $0x1;
	s4 =	sadd.s32 s22, s1  }
0x15: {  	[timem:s6], [sflag:s23] =	dma.local [hbm:s4], s21  }
0x16: {  	_ =	swait.ge [sflag:s23], s21  }
0x17: {  	s2 =	ssub.s32 $0x0, s21;
	[sflag:s23] =	ssyncset.done $0x0  }
0x18: {  	[sflag:s23] =	ssyncadd.s32 s2;
	_ =	sdelay $0x1  }
0x19: {  	s24 =	simm.s32 $0x1B8B  }
0x1a: {  	_ =	swait.ge [sflag:s24], $0x1  }
0x1b: {  	[sflag:s24] =	ssyncset.done $0x0  }
0x1c: {  	s26 =	simm.s32 $0x1B8E;
	s25 =	sld [smem:$0x3FFE];
	[sflag:s24] =	ssyncadd.s32 $0xFFFFFFFF  }
0x1d: {  	s27 =	simm.s32 $execute0_lowered;
	[smem:$0x3FD2] =	sst s26  }
0x1e: {  	s4 =	sshll.u32 s27, $0x1;
	_ =	strace $0x80000046;
	[dreg:$0x1] =	wrdreg $0xFFFFFFFF  }
0x1f: {  	s28 =	simm.s32 $_size_execute0_lowered;
	s1 =	sadd.s32 s1, s4;
	[dreg:$0x0] =	wrdreg $0x0  }
0x20: {  	s4 =	sshll.u32 s28, $0x1;
	[dreg:$0x2] =	wrdreg s1  }
0x21: {  	[dreg:$0x3] =	wrdreg s4  }
0x22: {  	[dreg:$0x4] =	wrdreg $0xC0  }
0x23: {  	_ =	task [dreg:s6], $0x5FFFF  }
0x24: {  	[dreg:$0x1] =	wrdreg $0xFFFFFFFF  }
0x25: {  	[dreg:$0x0] =	wrdreg $0x60  }
0x26: {  	[dreg:$0x2] =	wrdreg s25  }
0x27: {  	[dreg:$0x3] =	wrdreg $0x9  }
0x28: {  	_ =	task.clear_ibuf [dreg:s6], $0x4FFFF;
	_ =	strace $0x90000046  }
0x29: {  	s29 =	simm.s32 $0x9;
	_ =	strace $0x80000048  }
0x2a: {  	_ =	swait.ge [sflag:s29], $0x1  }
0x2b: {  	[sflag:s29] =	ssyncadd.s32 $0xFFFFFFFF  }
0x2c: {  	_ =	strace $0x90000048  }
0x2d: {  	_ =	sfence  }
0x2e: {  	s30 =	sld [smem:$0x0];
	_ =	sdelay $0x2  }
0x2f: {  	s31 =	sshll.u32 s3, $0xD;
	s3 =	sshrl.u32 s3, $0x2  }
0x30: {  	s2 =	sand.u32 $0x4000, s31;
	s1 =	sadd.s32 s3, s30  }
0x31: {  	s0 =	sor.u32 s2, s0;
	s1 =	sshll.u32 s1, $0x11  }
0x32: {  	s0 =	sor.u32 s1, s0  }
0x33: {  	s0 =	sadd.s32 $0x8F2B, s0  }
0x34: {  	[sflag:s0] =	ssyncadd.remote.s32 $0x1  }
0x35: {  	_ =	sfence.sel $0xFFFF  }
0x36: {  	[dreg:$0x0] =	wrdreg $0xFFFFFFFF;
	(pc) =	sbr.abs _section_cstart, $3  }
0x37: {  	[dreg:$0x1] =	wrdreg $0xFFFFFFFF  }
0x38: {  	_ =	task.clear_ibuf [dreg:s6], $0x2FFFF;
	_ =	strace $0x9FFFFFFF  }
0x39: {  	(tm) =	ssettm $0x7FFFFFFF  }
tec
execute0_lowered:
.L_overlay_start_1:
0x0: {  	(tag) =	ssettag $0x1  }
0x1: {  	s1 =	rddreg [dreg:$0x0];
	s3 =	srdreg.scid  }
0x2: {  	_ =	strace $0x80000047;
	s5 =	simm.s32 $0x1;
	s7 =	simm.s32 $0x2  }
0x3: {  	s16 =	simm.s32 $0x0;
	s13 =	simm.s32 $0x0;
	s14 =	simm.s32 $0x0  }
0x4: {  	s15 =	simm.s32 $0x0;
	s9 =	simm.s32 $0x0;
	s10 =	simm.s32 $0x0  }
.Ltmp0:
0x5: {  	s2 =	sadd.s32 $0x1000, s1;
	s4 =	sshll.u32 s3, $0x4;
	(pc) =	sbr.rel .LBB1_1-.Ltmp0, $4  }
0x6: {  	s3 =	sadd.s32 $0x101000, s1;
	s1 =	stileid.u32;
	s4 =	sand.u32 $0x10, s4  }
0x7: {  	s8 =	simm.s32 $0x0;
	[sflag:s5] =	ssyncpa.u1 $0x0;
	s6 =	sor.u32 s1, s4  }
0x8: {  	[sflag:s7] =	ssyncpa.u1 $0x0;
	s4 =	sand.u32 $0x3, s1;
	s6 =	sshrl.u32 s6, $0x2  }
0x9: {  	s7 =	simm.s32 $0x80;
	s12 =	smov.u32 s4;
	s11 =	smov.u32 s6  }
.LBB1_7:
0xa: {  	s0 =	sadd.s32 $0x200, s9  }
0xb: {  	s13 =	sadd.s32 $0x40, s10;
	s17 =	smov.u32 s10;
	p1 =	sgt.s32 s0, $0xFFF  }
0xc: {  	s17 =	smov.u32 @p1 s13  }
0xd: {  	s18 =	smov.u32 s11;
	s13 =	sadd.s32 $0x8, s11;
	p2 =	sgt.s32 s17, $0x3F  }
0xe: {  	s18 =	smov.u32 @p2 s13  }
0xf: {  	s19 =	smov.u32 s12;
	s13 =	sadd.s32 $0x4, s12;
	p3 =	sgt.s32 s18, $0xF  }
0x10: {  	p0 =	slt.u32 s8, $0x2;
	s19 =	smov.u32 @p3 s13  }
0x11: {  	s8 =	sadd.s32 $0x1, s8;
	s0 =	simm.s32 @p1 $0x0;
	p1 =	sgt.s32 s19, $0x3  }
0x12: {  	s19 =	smov.u32 @p1 s4;
	p1 =	sne.s32 s8, $0x12  }
.Ltmp1:
0x13: {  	s16 =	smov.u32 s9;
	s20 =	simm.s32 @!p0 $0x2;
	(pc) =	sbr.rel @!p1 .LBB1_8-.Ltmp1, $4  }
0x14: {  	s14 =	smov.u32 s11;
	s15 =	smov.u32 s12;
	_ =	swait.ge @!p0 [sflag:s20], $0x4000  }
0x15: {  	[sflag:s20] =	ssyncset.done @!p0 $0x0;
	s9 =	smov.u32 s0;
	s17 =	simm.s32 @p2 $0x0  }
0x16: {  	[sflag:s20] =	ssyncadd.s32 @!p0 $0xFFFFC000;
	s18 =	smov.u32 @p3 s6;
	s13 =	smov.u32 s10  }
0x17: {  	s10 =	smov.u32 s17;
	s11 =	smov.u32 s18;
	s12 =	smov.u32 s19  }
.LBB1_1:
0x18: {  	p0 =	sgt.u32 s8, $0xF  }
0x19: {  	s17 =	sshll.u32 @!p0 s10, $0xC;
	s18 =	sshll.u32 @!p0 s9, $0x3;
	s19 =	sshll.u32 @!p0 s10, $0x7  }
0x1a: {  	s20 =	sshll.u32 @!p0 s9, $0x1;
	s19 =	sand.u32 @!p0 $0x300, s19;
	s21 =	sand.u32 @!p0 $0xC00, s18  }
0x1b: {  	s17 =	sand.u32 @!p0 $0x38000, s17;
	s20 =	sand.u32 @!p0 $0xF0, s20;
	s19 =	sor.u32 @!p0 s19, s21  }
0x1c: {  	s17 =	sadd.s32 @!p0 s17, s18;
	s18 =	sor.u32 @!p0 s20, s19;
	s19 =	sshll.u32 @!p0 s12, $0x12  }
0x1d: {  	s20 =	sshll.u32 @!p0 s11, $0xE;
	s17 =	sshrl.u32 @!p0 s17, $0x4;
	s19 =	sadd.s32 @!p0 s2, s19  }
0x1e: {  	s21 =	sxor.u32 @!p0 $0xFFFFFFFF, s8;
	s17 =	sand.u32 @!p0 $0x3F00, s17;
	s19 =	sadd.s32 @!p0 s20, s19  }
0x1f: {  	s18 =	sshrl.u32 @!p0 s18, $0x4;
	s17 =	sadd.s32 @!p0 s17, s19;
	s19 =	sand.u32 @!p0 $0x7, s9  }
0x20: {  	s17 =	sadd.s32 @!p0 s18, s17;
	s18 =	sshll.u32 @!p0 s21, $0xE;
	s19 =	sshll.u32 @!p0 s19, $0x12  }
0x21: {  	s20 =	simm.s32 @!p0 $0x4000;
	s18 =	sand.u32 @!p0 $0x4000, s18;
	s19 =	sor.u32 @!p0 $0x800, s19  }
0x22: {  	[tilespmem:s18], [sflag:$0x1] =	stream.strided.gather @!p0 [hbm4b:s17+s19], $0x4000, s20, s19, $0x38;
	[tilespmem:$0x10200] =	vst v63  }
0x23: {  	p0 =	seq.s32 s8, $0x0  }
0x24: {  	p1 =	seq.s32 @!p0 s8, $0x11  }
0x25: {  	p0 =	por p0, p1  }
.Ltmp2:
0x26: {  	_ = 	snop;
	(pc) =	sbr.rel @p0 .LBB1_7-.Ltmp2, $1  }
0x27: {  	_ =	sdelay $0x3  }
0x28: {  	s17 =	sand.u32 $0x1, s8  }
0x29: {  	_ =	swait.ge [sflag:s5], $0x4000;
	s18 =	smul.u32 $0x10400, s17  }
0x2a: {  	[sflag:s5] =	ssyncset.done $0x0  }
0x2b: {  	[sflag:s5] =	ssyncadd.s32 $0xFFFFC000;
	s19 =	sshrl.u32 s18, $0x2  }
0x2c: {  	s18 =	sshll.u32 s17, $0xE;
	s17 =	sor.u32 $0x8000, s19;
	s19 =	simm.s32 $0x0  }
.LBB1_3:
0x2d: {  	s20 =	sshll.u32 s19, $0x9  }
0x2e: {  	s21 =	sshll.u32 s19, $0x7;
	s22 =	sshll.u32 s19, $0x6;
	s30 =	sshll.u32 s19, $0x1  }
0x2f: {  	s31 =	sand.u32 $0x1E, s19;
	s23 =	sand.u32 $0x3FFFFFE0, s19;
	s25 =	sshrl.u32 s19, $0x5  }
0x30: {  	p0 =	por $0x1, $0x1;
	s28 =	simm.s32 $0x0;
	s20 =	sand.u32 $0x7000, s20  }
0x31: {  	s21 =	sand.u32 $0x300, s21;
	s29 =	sand.u32 $0x80, s22;
	s22 =	sadd.s32 s31, s17  }
0x32: {  	s20 =	sor.u32 s20, s21;
	s24 =	sadd.s32 s29, s18;
	s21 =	sshra.s32 s30, $0x1  }
0x33: {  	s22 =	sadd.s32 s23, s22;
	s23 =	sxor.u32 $0xFFFFFFFF, s25;
	s21 =	sadd.s32 s21, s17;
	v0 =	vmov s24  }
.LBB1_4:
0x34: {  	s24 =	sshll.u32 s28, $0x3  }
0x35: {  	s24 =	sor.u32 s24, s20  }
0x36: {  	s24 =	sshrl.u32 s24, $0x1  }
0x37: {  	s25 =	sand.u32 $0x3D00, s24  }
0x38: {  	v1 =	vld.idx.msk [tilespmem:v0+s25+$0x0 ss:$0x1], $0xffff  }
0x39: {  	v2 =	vld.idx.msk [tilespmem:v0+s25+$0x10 ss:$0x1], $0xffff  }
0x3a: {  	v3 =	vld.idx.msk [tilespmem:v0+s25+$0x20 ss:$0x1], $0xffff  }
0x3b: {  	s27 =	sor.u32 $0x80, s28;
	v4 =	vld.idx.msk [tilespmem:v0+s25+$0x30 ss:$0x1], $0xffff  }
0x3c: {  	s30 =	sshll.u32 s27, $0x3  }
0x3d: {  	s29 =	smul.u32 $0x82, s28;
	s26 =	sor.u32 $0xA0, s28;
	s24 =	sor.u32 s20, s30;
	v6 =	vld.idx.msk [tilespmem:v0+s25+$0x50 ss:$0x1], $0xffff  }
0x3e: {  	s0 =	sand.u32 s23, s28;
	s31 =	sshll.u32 s26, $0x3;
	v5 =	vld.idx.msk [tilespmem:v0+s25+$0x40 ss:$0x1], $0xffff;
	s24 =	sshrl.u32 s24, $0x1  }
0x3f: {  	s0 =	smul.u32 $0x82, s0;
	v8 =	vld.idx.msk [tilespmem:v0+s25+$0x60 ss:$0x1], $0xffff;
	s30 =	sand.u32 $0x3F00, s24;
	s24 =	sor.u32 $0xC0, s28;
	v2 =	vperm.xlane.i2c.b16 v2;
	v1 =	vperm.xlane.i2c.b16 v1  }
0x40: {  	s29 =	sshra.s32 s29, $0x2;
	v7 =	vld.idx.msk [tilespmem:v0+s30+$0x0 ss:$0x1], $0xffff;
	s30 =	sand.u32 $0xC00, s31;
	s31 =	sshll.u32 s24, $0x3;
	v4 =	vperm.xlane.i2c.b16 v4;
	v3 =	vperm.xlane.i2c.b16 v3  }
0x41: {  	s29 =	sadd.s32 s29, s21;
	s30 =	sor.u32 s20, s30;
	s31 =	sand.u32 $0xC00, s31;
	v9 =	vcombine.low v1, v2;
	v1 =	vcombine.high v1, v2;
	v2 =	vld.idx.msk [tilespmem:v0+s25+$0x70 ss:$0x1], $0xffff  }
0x42: {  	s0 =	sshra.s32 s0, $0x2;
	v10 =	vld.idx.msk [tilespmem:v0+s25+$0x210 ss:$0x1], $0xffff;
	s30 =	sshrl.u32 s30, $0x1;
	s31 =	sor.u32 s20, s31;
	v6 =	vperm.xlane.i2c.b16 v6  }
0x43: {  	s28 =	sor.u32 $0xE0, s28;
	s30 =	sand.u32 $0x3F00, s30;
	s31 =	sshrl.u32 s31, $0x1;
	v5 =	vperm.xlane.i2c.b16 v5;
	v51 =	vcombine.low v3, v4  }
0x44: {  	s0 =	sadd.s32 s0, s22;
	v54 =	vperm.xlane.i2c.b16 v8;
	v11 =	vld.idx.msk [tilespmem:v0+s30+$0x20 ss:$0x1], $0xffff;
	s30 =	sand.u32 $0x3F00, s31;
	s31 =	sshll.u32 s28, $0x3;
	[tilespmem:s29+$0x0 ss:$0x41] =	vst.msk $0xffff, v9  }
0x45: {  	v53 =	vld.idx.msk [tilespmem:v0+s25+$0x230 ss:$0x1], $0xffff;
	v3 =	vcombine.high v3, v4;
	s31 =	sand.u32 $0xC00, s31;
	v52 =	vcombine.high v5, v6;
	[tilespmem:s0+$0x410 ss:$0x41] =	vst.msk $0xffff, v51  }
0x46: {  	v12 =	vld.idx.msk [tilespmem:v0+s30+$0x40 ss:$0x1], $0xffff;
	s31 =	sor.u32 s20, s31;
	[tilespmem:s29+$0x1 ss:$0x41] =	vst.msk $0xffff, v1;
	v1 =	vcombine.low v5, v6;
	v2 =	vperm.xlane.i2c.b16 v2  }
0x47: {  	s27 =	smul.u32 $0x82, s27;
	v55 =	vld.idx.msk [tilespmem:v0+s25+$0x250 ss:$0x1], $0xffff;
	v7 =	vperm.xlane.i2c.b16 v7;
	s29 =	sshrl.u32 s31, $0x1;
	[tilespmem:s0+$0x411 ss:$0x41] =	vst.msk $0xffff, v3;
	v3 =	vperm.xlane.i2c.b16 v10  }
0x48: {  	v57 =	vld.idx.msk [tilespmem:v0+s25+$0x270 ss:$0x1], $0xffff;
	s29 =	sand.u32 $0x3F00, s29;
	[tilespmem:s0+$0x820 ss:$0x41] =	vst.msk $0xffff, v1;
	v1 =	vcombine.low v54, v2  }
0x49: {  	v59 =	vperm.xlane.i2c.b16 v11;
	v56 =	vld.idx.msk [tilespmem:v0+s29+$0x60 ss:$0x1], $0xffff;
	v58 =	vcombine.low v7, v3;
	s29 =	sshra.s32 s27, $0x2;
	[tilespmem:s0+$0x821 ss:$0x41] =	vst.msk $0xffff, v52  }
0x4a: {  	s26 =	smul.u32 $0x82, s26;
	s30 =	sadd.s32 s29, s21;
	v2 =	vcombine.high v54, v2;
	[tilespmem:s0+$0xC30 ss:$0x41] =	vst.msk $0xffff, v1;
	v1 =	vperm.xlane.i2c.b16 v53  }
0x4b: {  	v3 =	vcombine.high v7, v3;
	v60 =	vperm.xlane.i2c.b16 v12;
	[tilespmem:s30+$0x0 ss:$0x41] =	vst.msk $0xffff, v58  }
0x4c: {  	s24 =	smul.u32 $0x82, s24;
	s31 =	sshra.s32 s26, $0x2;
	[tilespmem:s0+$0xC31 ss:$0x41] =	vst.msk $0xffff, v2;
	v2 =	vperm.xlane.i2c.b16 v55;
	v61 =	vcombine.low v59, v1  }
0x4d: {  	v62 =	vperm.xlane.i2c.b16 v57;
	s26 =	sadd.s32 s31, s21;
	[tilespmem:s30+$0x1 ss:$0x41] =	vst.msk $0xffff, v3;
	v1 =	vcombine.high v59, v1  }
0x4e: {  	p1 =	por p0, p0;
	s24 =	sshra.s32 s24, $0x2;
	s27 =	smul.u32 $0x82, s28;
	v63 =	vperm.xlane.i2c.b16 v56;
	v3 =	vcombine.low v60, v2;
	[tilespmem:s26+$0x0 ss:$0x41] =	vst.msk $0xffff, v61  }
.Ltmp3:
0x4f: {  	s29 =	sadd.s32 s24, s21;
	[tilespmem:s26+$0x1 ss:$0x41] =	vst.msk $0xffff, v1;
	v1 =	vcombine.high v60, v2;
	(pc) =	sbr.rel @p1 .LBB1_4-.Ltmp3, $4  }
0x50: {  	s30 =	sshra.s32 s27, $0x2;
	[tilespmem:s29+$0x0 ss:$0x41] =	vst.msk $0xffff, v3;
	v2 =	vcombine.low v63, v62  }
0x51: {  	s31 =	sadd.s32 s30, s21;
	[tilespmem:s29+$0x1 ss:$0x41] =	vst.msk $0xffff, v1;
	v1 =	vcombine.high v63, v62  }
0x52: {  	[tilespmem:s31+$0x0 ss:$0x41] =	vst.msk $0xffff, v2  }
0x53: {  	p0 =	por $0x0, $0x0;
	s28 =	simm.s32 $0x100;
	[tilespmem:s31+$0x1 ss:$0x41] =	vst.msk $0xffff, v1  }
0x54: {  	p0 =	slt.u32 s19, $0x3E  }
.Ltmp4:
0x55: {  	_ = 	snop;
	(pc) =	sbr.rel @p0 .LBB1_3-.Ltmp4, $3  }
0x56: {  	_ =	sdelay $0x1  }
0x57: {  	s0 =	sadd.s32 $0x2, s19  }
0x58: {  	s19 =	smov.u32 s0  }
0x59: {  	s0 =	sshll.u32 s16, $0x7  }
0x5a: {  	s27 =	sshll.u32 s13, $0x3;
	s28 =	sshll.u32 s13, $0x1;
	s15 =	sshll.u32 s15, $0x13  }
0x5b: {  	s14 =	sshll.u32 s14, $0xF;
	s18 =	sand.u32 $0x7FC00, s0;
	s16 =	sand.u32 $0x7FC00, s27  }
0x5c: {  	s30 =	sshrl.u32 s13, $0x3;
	s0 =	sand.u32 $0x300, s0;
	s16 =	sadd.s32 s16, s18  }
0x5d: {  	s31 =	sand.u32 $0x7, s13;
	s29 =	sand.u32 $0x80, s28;
	s0 =	sor.u32 s0, s16  }
.Ltmp5:
0x5e: {  	s15 =	sadd.s32 s3, s15;
	s0 =	sor.u32 s29, s0;
	(pc) =	sbr.rel .LBB1_7-.Ltmp5, $4  }
0x5f: {  	s14 =	sadd.s32 s14, s15;
	s16 =	sand.u32 $0x7, s30;
	s0 =	sshrl.u32 s0, $0x4  }
0x60: {  	s13 =	sshll.u32 s31, $0x12;
	s14 =	sadd.s32 s16, s14;
	s0 =	sand.u32 $0x7FF8, s0  }
0x61: {  	s13 =	sor.u32 $0x40, s13;
	s0 =	sadd.s32 s0, s14  }
0x62: {  	[hbm4b:s0+s13] =	stream.strided.scatter [tilespmem:s17], [sflag:$0x2], $0x4000, s7, s13, $0x18;
	[tilespmem:$0x10200] =	vst v63  }
.LBB1_8:
0x63: {  	_ =	sfence.sel $0x180000  }
0x64: {  	s0 =	simm.s32 $0x1;
	[bflag:$0x0] =	sbarrier.arrive $0xFFFF  }
0x65: {  	s31 =	simm.s32 $0x2;
	[sflag:s0] =	ssyncpa.u1 $0x1  }
0x66: {  	[sflag:s31] =	ssyncpa.u1 $0x1  }
0x67: {  	_ =	strace $0x90000047  }
0x68: {  	[bflag:$0x2] =	sbarrier.arrive $0xFFFF  }
0x69: {  	p0 =	sne.s32 s1, $0x0;
	s0 =	rddreg [dreg:$0x1]  }
0x6a: {  	s0 =	sadd.s32 @!p0 $0x100000, s0  }
0x6b: {  	[sflag:s0] =	ssyncadd.tile.s32 @!p0 $0x1;
	_ =	shalt  }
.Lfunc_end1:
_tile_overlayer_lowered:
.L_overlay_start_2:
0x6c: {  	(tag) =	ssettag $0x2  }
0x6d: {  	s0 =	rddreg [dreg:$0x0];
	s2 =	stileid.u32  }
0x6e: {  	s1 =	rddreg [dreg:$0x1];
	p0 =	sne.s32 s2, $0x0  }
0x6f: {  	s3 =	rddreg [dreg:$0x2];
	[bflag:$0x3] =	sbarrier.arrive $0xFFFF;
	s2 =	simm.s32 @!p0 $0x1C01  }
0x70: {  	[timem:s3], [sflag:s2] =	dma.local @!p0 [hbm:s0], s1  }
0x71: {  	s0 =	simm.s32 @!p0 $0x1  }
0x72: {  	_ =	swait.ge @!p0 [sflag:s0], s1  }
0x73: {  	s1 =	ssub.s32 @!p0 $0x0, s1;
	[sflag:s0] =	ssyncset.done @!p0 $0x0  }
0x74: {  	[sflag:s0] =	ssyncadd.s32 @!p0 s1  }
0x75: {  	[bflag:$0x3] =	sbarrier.arrive $0xFFFF  }
0x76: {  	_ =	shalt  }

</sc_bundles>
